<compile_context>
chip_gen: v7x
topology: tpu7x:2x2x1
jax: 0.10.2.dev20260603
libtpu: 0.0.44.dev20260713+nightly
codegen_flags: <defaults>
</compile_context>

<pallas_src>
import functools

import jax
import jax.numpy as jnp
from jax import lax
from jax.experimental import pallas as pl
from jax.experimental.pallas import tpu as pltpu
from jax.experimental.pallas import tpu_sc as plsc

_N_RET, _N_LGN, _N_V1, _N_IT = 128, 128, 256, 128
_C, _H, _W = 3, 224, 224
_B = 256
_N_CLASSES = 1000
_K = _N_RET * 16
_CHW = _C * _H * _W
_INV_T = 1.25

_NC, _NS = 1, 16
_NW = _NC * _NS
_RPW = _K // _NW


def _sc_gather(x_cols, pm_flat):
    mesh = plsc.VectorSubcoreMesh(core_axis_name="c", subcore_axis_name="s",
                                  num_cores=1)

    @functools.partial(
        pl.kernel,
        out_type=jax.ShapeDtypeStruct((_K, _B), jnp.float32),
        mesh=mesh,
        scratch_types=[
            pltpu.VMEM((_RPW,), jnp.int32),
            pltpu.VMEM((_RPW, _B), jnp.float32),
            pltpu.SemaphoreType.DMA,
        ],
    )
    def gather_kernel(x_hbm, pm_hbm, out_hbm, idx_v, rows_v, sem):
        wid = lax.axis_index("s") * _NC + lax.axis_index("c")
        sl = pl.ds(wid * _RPW, _RPW)
        pltpu.sync_copy(pm_hbm.at[sl], idx_v)
        pltpu.async_copy(x_hbm.at[idx_v], rows_v, sem).wait()
        pltpu.sync_copy(rows_v, out_hbm.at[sl])

    return gather_kernel(x_cols, pm_flat)


def _dot(a, b, dims):
    return lax.dot_general(a, b, (dims, ((), ())),
                           preferred_element_type=jnp.float32)


def _soma(inp, w, b):
    sw = jnp.sum(w, axis=-1)
    dend = jnp.tanh(inp[:, None, :] * sw[:, :, None] + b[:, :, None])
    return jax.nn.sigmoid(jnp.sum(dend, axis=1))


def _pool(r, mb):
    m = mb.astype(jnp.float32)
    eff = jnp.where(jnp.sum(m, axis=1, keepdims=True) > 0.5, m, 1.0)
    e = jnp.exp(r * _INV_T)
    return (_dot(eff, e * r, ((1,), (0,)))
            / _dot(eff, e, ((1,), (0,))))


def _tc_body(p_ref, wr_ref, br_ref, wl_ref, bl_ref, wv_ref, bv_ref,
             wi_ref, bi_ref, wc_ref, bc_ref, m1_ref, m2_ref, out_ref):
    p4 = p_ref[...].reshape(_N_RET, 4, 4, _B)
    t = p4 * wr_ref[...][:, :, :, None]
    dend = jnp.tanh(jnp.sum(t, axis=2) + br_ref[...][:, :, None])
    r1 = jax.nn.sigmoid(jnp.sum(dend, axis=1))

    r2 = _soma(r1, wl_ref[...], bl_ref[...])
    v1 = _pool(r2, m1_ref[...])
    r3 = _soma(v1, wv_ref[...], bv_ref[...])
    it = _pool(r3, m2_ref[...])
    r4 = _soma(it, wi_ref[...], bi_ref[...])

    out_ref[...] = _dot(r4, wc_ref[...], ((0,), (1,))) + bc_ref[...]


def kernel(x, w_retina, b_retina, w_lgn, b_lgn, w_v1, b_v1, w_it, b_it,
           Wc, bc, pixel_map, lgn_to_v1, v1_to_it):
    x_cols = x.transpose(1, 2, 3, 0).reshape(_CHW, _B)
    p = _sc_gather(x_cols, pixel_map.reshape(-1))

    return pl.pallas_call(
        _tc_body,
        out_shape=jax.ShapeDtypeStruct((_B, _N_CLASSES), jnp.float32),
    )(p, w_retina, b_retina, w_lgn, b_lgn, w_v1, b_v1, w_it, b_it,
      Wc, bc.reshape(1, _N_CLASSES), lgn_to_v1, v1_to_it)

# --- scband reference (transcript-rebuilt; emitter-appended) ---
"""Pipeline reference for scband-foldsnet-75505525064284 (READ-ONLY COPY).

The authoritative reference and input builder live on the scoring server;
editing this copy changes nothing except your own understanding.
"""

import jax, jax.numpy as jnp
import numpy as np

N_RET, N_LGN, N_V1, N_IT = 128, 128, 256, 128
C, H, W = 3, 224, 224
BATCH = 256
N_CLASSES = 1000
RD, RS = 4, 4   # retina dendrites/synapses
CD, CS = 4, 8   # cortical dendrites/synapses
TEMP = 0.8


def _build_pixel_map():
    side = max(1, int(N_RET ** 0.5))
    ys = np.round(np.linspace(0, H - 1, side)).astype(np.int64)
    xs = np.round(np.linspace(0, W - 1, side)).astype(np.int64)
    gy, gx = np.meshgrid(ys, xs, indexing='ij')
    centers = np.stack([gy.reshape(-1), gx.reshape(-1)], axis=-1)
    if centers.shape[0] < N_RET:
        reps = (N_RET + centers.shape[0] - 1) // centers.shape[0]
        centers = np.tile(centers, (reps, 1))
    centers = centers[:N_RET]
    off = np.array([-1, 0, 1, 2], dtype=np.int64)
    rows = []
    for idx in range(N_RET):
        cy, cx = centers[idx]
        yy = np.clip(cy + off, 0, H - 1)
        xx = np.clip(cx + off, 0, W - 1)
        g_y, g_x = np.meshgrid(yy, xx, indexing='ij')
        ch = idx % C
        rows.append(ch * (H * W) + g_y.reshape(-1) * W + g_x.reshape(-1))
    return np.stack(rows, axis=0)  # [N_RET, 16]


def setup_inputs(seed: int = 0) -> dict:
    key = jax.random.key(seed)
    ks = jax.random.split(key, 12)
    rng = np.random.default_rng(0)
    inp = {
        'x': jax.random.normal(ks[0], (BATCH, C, H, W), dtype=jnp.float32),
        'w_retina': jax.random.normal(ks[1], (N_RET, RD, RS), dtype=jnp.float32) * 0.1,
        'b_retina': jnp.zeros((N_RET, RD), dtype=jnp.float32),
        'w_lgn': jax.random.normal(ks[2], (N_LGN, 4, 4), dtype=jnp.float32) * 0.1,
        'b_lgn': jnp.zeros((N_LGN, 4), dtype=jnp.float32),
        'w_v1': jax.random.normal(ks[3], (N_V1, CD, CS), dtype=jnp.float32) * 0.1,
        'b_v1': jnp.zeros((N_V1, CD), dtype=jnp.float32),
        'w_it': jax.random.normal(ks[4], (N_IT, CD, CS), dtype=jnp.float32) * 0.1,
        'b_it': jnp.zeros((N_IT, CD), dtype=jnp.float32),
        'Wc': jax.random.normal(ks[5], (N_CLASSES, N_IT), dtype=jnp.float32) * 0.05,
        'bc': jnp.zeros((N_CLASSES,), dtype=jnp.float32),
        'pixel_map': jnp.asarray(_build_pixel_map(), dtype=jnp.int32),
        'lgn_to_v1': jnp.asarray(rng.random((N_V1, N_LGN)) < 0.25),
        'v1_to_it': jnp.asarray(rng.random((N_IT, N_V1)) < 0.25),
    }
    return inp


def _neuron(x, w, b):
    # MPJRD surrogate: per-synapse weighted sum per dendrite, tanh dendritic
    # nonlinearity, sigmoid somatic rate -> spikes in [0,1].
    dend = jnp.tanh((x * w[None]).sum(-1) + b[None])  # [B, N, D]
    return jax.nn.sigmoid(dend.sum(-1))               # [B, N]


def _sparse_activity_pool(inputs, mask, temperature):
    has_edges = mask.sum(axis=1, keepdims=True) > 0          # [N_dst, 1]
    eff = jnp.where(has_edges, mask, jnp.ones_like(mask))    # [N_dst, N_src] bool
    logits = inputs[:, None, :] / max(temperature, 1e-6)     # [B, 1, N_src]
    logits = jnp.where(eff[None], logits, -1e30)
    wgt = jax.nn.softmax(logits, axis=-1)
    return (wgt * inputs[:, None, :]).sum(-1)                # [B, N_dst]


def reference(x, w_retina, b_retina, w_lgn, b_lgn, w_v1, b_v1, w_it, b_it, Wc, bc,
              pixel_map, lgn_to_v1, v1_to_it):
    B = x.shape[0]
    x_flat = x.reshape(B, -1)
    retina_pixels = x_flat[:, pixel_map]                        # [B, N_RET, 16] gather
    retina_dendrites = retina_pixels.reshape(B, N_RET, RD, RS)
    r1 = _neuron(retina_dendrites, w_retina, b_retina)          # [B, N_RET]
    lgn_in = jnp.broadcast_to(r1[:, :, None, None], (B, N_LGN, 4, 4))
    r2 = _neuron(lgn_in, w_lgn, b_lgn)                          # [B, N_LGN]
    v1_agg = _sparse_activity_pool(r2, lgn_to_v1, TEMP)         # [B, N_V1]
    v1_in = jnp.broadcast_to(v1_agg[:, :, None, None], (B, N_V1, CD, CS))
    r3 = _neuron(v1_in, w_v1, b_v1)                             # [B, N_V1]
    it_agg = _sparse_activity_pool(r3, v1_to_it, TEMP)          # [B, N_IT]
    it_in = jnp.broadcast_to(it_agg[:, :, None, None], (B, N_IT, CD, CS))
    r4 = _neuron(it_in, w_it, b_it)                             # [B, N_IT]
    logits = r4 @ Wc.T + bc                                     # [B, N_CLASSES]
    return logits

if __name__ == "__main__":
    import jax
    _d = setup_inputs()
    print(jax.jit(kernel)(*tuple(_d.values())))

</pallas_src>

<mosaic_0001>
#map = affine_map<(d0, d1) -> (0, 0)>
#map1 = affine_map<(d0, d1) -> (0)>
module attributes {stable_mosaic.version = 14 : i64} {
  func.func @gather_kernel(%arg0: i32, %arg1: i32, %arg2: memref<150528x256xf32, #tpu.memory_space<hbm>>, %arg3: memref<2048xi32, #tpu.memory_space<hbm>>, %arg4: memref<2048x256xf32, #tpu.memory_space<hbm>>, %arg5: memref<128xi32, #tpu.memory_space<vmem>>, %arg6: memref<128x256xf32, #tpu.memory_space<vmem>>, %arg7: memref<!tpu.dma_semaphore, #tpu.memory_space<semaphore_mem>>) attributes {dimension_semantics = [#tpu.dimension_semantics<core_parallel>, #tpu.dimension_semantics<subcore_parallel>], iteration_bounds = array<i64: 1, 16>, scalar_prefetch = 0 : i64, scratch_operands = 3 : i64, tpu.core_type = #tpu.core_type<sc_vector_subcore>, window_params = [{transform_indices = #map}, {transform_indices = #map1}, {transform_indices = #map}]} {
    %mul3A = arith.constant 1 : i32
    %mul3A_0 = arith.muli %arg1, %mul3A : i32
    %add3A = arith.addi %mul3A_0, %arg0 : i32
    %mul3A_1 = arith.constant 128 : i32
    %mul3A_2 = arith.muli %add3A, %mul3A_1 : i32
    "tpu.region"() ({
      %run_scoped3A = tpu.sem_alloc : memref<!tpu.dma_semaphore, #tpu.memory_space<semaphore_mem>>
      %dma_start3A_7 = tpu.memref_slice %arg3[%mul3A_2] : memref<2048xi32, #tpu.memory_space<hbm>> -> memref<128xi32, #tpu.memory_space<hbm>>
      %dma_start3A_8 = tpu.memref_slice %arg3[%mul3A_2] : memref<2048xi32, #tpu.memory_space<hbm>> -> memref<128xi32, #tpu.memory_space<hbm>>
      tpu.enqueue_dma source(%dma_start3A_8 : memref<128xi32, #tpu.memory_space<hbm>>) target(%arg5 : memref<128xi32, #tpu.memory_space<vmem>>) target_semaphore(%run_scoped3A : memref<!tpu.dma_semaphore, #tpu.memory_space<semaphore_mem>>)
      %dma_wait3A_9 = tpu.memref_slice %arg3[%mul3A_2] : memref<2048xi32, #tpu.memory_space<hbm>> -> memref<128xi32, #tpu.memory_space<hbm>>
      %dma_wait3A_10 = tpu.memref_slice %arg3[%mul3A_2] : memref<2048xi32, #tpu.memory_space<hbm>> -> memref<128xi32, #tpu.memory_space<hbm>>
      tpu.wait_dma2 semaphore(%run_scoped3A : memref<!tpu.dma_semaphore, #tpu.memory_space<semaphore_mem>>) src(%dma_wait3A_10 : memref<128xi32, #tpu.memory_space<hbm>>) dst(%arg5 : memref<128xi32, #tpu.memory_space<vmem>>)
      tpu.yield
    }) : () -> ()
    %dma_start3A = arith.constant 0 : i32
    %dma_start3A_3 = arith.constant 0 : i32
    %dma_start3A_4 = tpu.memref_slice %arg2[%dma_start3A, %dma_start3A_3] : memref<150528x256xf32, #tpu.memory_space<hbm>> -> memref<150528x256xf32, #tpu.memory_space<hbm>>
    tpu.enqueue_indirect_dma source(%dma_start3A_4 : memref<150528x256xf32, #tpu.memory_space<hbm>>) target(%arg6 : memref<128x256xf32, #tpu.memory_space<vmem>>) offsets(%arg5 : memref<128xi32, #tpu.memory_space<vmem>>) semaphore(%arg7 : memref<!tpu.dma_semaphore, #tpu.memory_space<semaphore_mem>>)
    %dma_wait3A = arith.constant 0 : i32
    %dma_wait3A_5 = arith.constant 0 : i32
    %dma_wait3A_6 = tpu.memref_slice %arg2[%dma_wait3A, %dma_wait3A_5] : memref<150528x256xf32, #tpu.memory_space<hbm>> -> memref<150528x256xf32, #tpu.memory_space<hbm>>
    tpu.wait_indirect_dma semaphore(%arg7 : memref<!tpu.dma_semaphore, #tpu.memory_space<semaphore_mem>>) src(%dma_wait3A_6 : memref<150528x256xf32, #tpu.memory_space<hbm>>) dst(%arg6 : memref<128x256xf32, #tpu.memory_space<vmem>>)
    "tpu.region"() ({
      %run_scoped3A = tpu.sem_alloc : memref<!tpu.dma_semaphore, #tpu.memory_space<semaphore_mem>>
      %dma_start3A_7 = arith.constant 0 : i32
      %dma_start3A_8 = tpu.memref_slice %arg4[%mul3A_2, %dma_start3A_7] : memref<2048x256xf32, #tpu.memory_space<hbm>> -> memref<128x256xf32, #tpu.memory_space<hbm>>
      %dma_start3A_9 = arith.constant 0 : i32
      %dma_start3A_10 = tpu.memref_slice %arg4[%mul3A_2, %dma_start3A_9] : memref<2048x256xf32, #tpu.memory_space<hbm>> -> memref<128x256xf32, #tpu.memory_space<hbm>>
      tpu.enqueue_dma source(%arg6 : memref<128x256xf32, #tpu.memory_space<vmem>>) target(%dma_start3A_10 : memref<128x256xf32, #tpu.memory_space<hbm>>) target_semaphore(%run_scoped3A : memref<!tpu.dma_semaphore, #tpu.memory_space<semaphore_mem>>)
      %dma_wait3A_11 = arith.constant 0 : i32
      %dma_wait3A_12 = tpu.memref_slice %arg4[%mul3A_2, %dma_wait3A_11] : memref<2048x256xf32, #tpu.memory_space<hbm>> -> memref<128x256xf32, #tpu.memory_space<hbm>>
      %dma_wait3A_13 = arith.constant 0 : i32
      %dma_wait3A_14 = tpu.memref_slice %arg4[%mul3A_2, %dma_wait3A_13] : memref<2048x256xf32, #tpu.memory_space<hbm>> -> memref<128x256xf32, #tpu.memory_space<hbm>>
      tpu.wait_dma2 semaphore(%run_scoped3A : memref<!tpu.dma_semaphore, #tpu.memory_space<semaphore_mem>>) src(%arg6 : memref<128x256xf32, #tpu.memory_space<vmem>>) dst(%dma_wait3A_14 : memref<128x256xf32, #tpu.memory_space<hbm>>)
      tpu.yield
    }) : () -> ()
    return
  }
}

module attributes {stable_mosaic.version = 14 : i64} {
  func.func @_tc_body(%arg0: memref<2048x256xf32, #tpu.memory_space<vmem>>, %arg1: memref<128x4x4xf32, #tpu.memory_space<vmem>>, %arg2: memref<128x4xf32, #tpu.memory_space<vmem>>, %arg3: memref<128x4x4xf32, #tpu.memory_space<vmem>>, %arg4: memref<128x4xf32, #tpu.memory_space<vmem>>, %arg5: memref<256x4x8xf32, #tpu.memory_space<vmem>>, %arg6: memref<256x4xf32, #tpu.memory_space<vmem>>, %arg7: memref<128x4x8xf32, #tpu.memory_space<vmem>>, %arg8: memref<128x4xf32, #tpu.memory_space<vmem>>, %arg9: memref<1000x128xf32, #tpu.memory_space<vmem>>, %arg10: memref<1x1000xf32, #tpu.memory_space<vmem>>, %arg11: memref<256x128xi32, #tpu.memory_space<vmem>>, %arg12: memref<128x256xi32, #tpu.memory_space<vmem>>, %arg13: memref<256x1000xf32, #tpu.memory_space<vmem>>) attributes {dimension_semantics = [], scalar_prefetch = 0 : i64, scratch_operands = 0 : i64, tpu.core_type = #tpu.core_type<tc>} {
    %get3A = arith.constant 0 : index
    %get3A_0 = arith.constant 0 : index
    %get3A_1 = vector.load %arg0[%get3A, %get3A_0] : memref<2048x256xf32, #tpu.memory_space<vmem>>, vector<2048x256xf32>
    %reshape3A = vector.shape_cast %get3A_1 : vector<2048x256xf32> to vector<128x4x4x256xf32>
    %get3A_2 = arith.constant 0 : index
    %get3A_3 = arith.constant 0 : index
    %get3A_4 = arith.constant 0 : index
    %get3A_5 = vector.load %arg1[%get3A_2, %get3A_3, %get3A_4] : memref<128x4x4xf32, #tpu.memory_space<vmem>>, vector<128x4x4xf32>
    %broadcast_in_dim3A = vector.shape_cast %get3A_5 : vector<128x4x4xf32> to vector<128x4x4x1xf32>
    %mul3A = vector.broadcast %broadcast_in_dim3A : vector<128x4x4x1xf32> to vector<128x4x4x256xf32>
    %mul3A_6 = arith.mulf %reshape3A, %mul3A : vector<128x4x4x256xf32>
    %reduce_sum3A = arith.constant dense<0.000000e+00> : vector<128x4x256xf32>
    %reduce_sum3A_7 = vector.multi_reduction <add>, %mul3A_6, %reduce_sum3A [2] : vector<128x4x4x256xf32> to vector<128x4x256xf32>
    %get3A_8 = arith.constant 0 : index
    %get3A_9 = arith.constant 0 : index
    %get3A_10 = vector.load %arg2[%get3A_8, %get3A_9] : memref<128x4xf32, #tpu.memory_space<vmem>>, vector<128x4xf32>
    %broadcast_in_dim3A_11 = vector.shape_cast %get3A_10 : vector<128x4xf32> to vector<128x4x1xf32>
    %add3A = vector.broadcast %broadcast_in_dim3A_11 : vector<128x4x1xf32> to vector<128x4x256xf32>
    %add3A_12 = arith.addf %reduce_sum3A_7, %add3A : vector<128x4x256xf32>
    %tanh3A = math.tanh %add3A_12 : vector<128x4x256xf32>
    %reduce_sum3A_13 = arith.constant dense<0.000000e+00> : vector<128x256xf32>
    %reduce_sum3A_14 = vector.multi_reduction <add>, %tanh3A, %reduce_sum3A_13 [1] : vector<128x4x256xf32> to vector<128x256xf32>
    %logistic3A = arith.negf %reduce_sum3A_14 : vector<128x256xf32>
    %logistic3A_15 = math.exp %logistic3A : vector<128x256xf32>
    %logistic3A_16 = arith.constant 1.000000e+00 : f32
    %logistic3A_17 = vector.broadcast %logistic3A_16 : f32 to vector<128x256xf32>
    %logistic3A_18 = arith.addf %logistic3A_17, %logistic3A_15 : vector<128x256xf32>
    %logistic3A_19 = arith.divf %logistic3A_17, %logistic3A_18 : vector<128x256xf32>
    %get3A_20 = arith.constant 0 : index
    %get3A_21 = arith.constant 0 : index
    %get3A_22 = arith.constant 0 : index
    %get3A_23 = vector.load %arg3[%get3A_20, %get3A_21, %get3A_22] : memref<128x4x4xf32, #tpu.memory_space<vmem>>, vector<128x4x4xf32>
    %get3A_24 = arith.constant 0 : index
    %get3A_25 = arith.constant 0 : index
    %get3A_26 = vector.load %arg4[%get3A_24, %get3A_25] : memref<128x4xf32, #tpu.memory_space<vmem>>, vector<128x4xf32>
    %reduce_sum3A_27 = arith.constant dense<0.000000e+00> : vector<128x4xf32>
    %reduce_sum3A_28 = vector.multi_reduction <add>, %get3A_23, %reduce_sum3A_27 [2] : vector<128x4x4xf32> to vector<128x4xf32>
    %broadcast_in_dim3A_29 = vector.shape_cast %logistic3A_19 : vector<128x256xf32> to vector<128x1x256xf32>
    %broadcast_in_dim3A_30 = vector.shape_cast %reduce_sum3A_28 : vector<128x4xf32> to vector<128x4x1xf32>
    %mul3A_31 = vector.broadcast %broadcast_in_dim3A_29 : vector<128x1x256xf32> to vector<128x4x256xf32>
    %mul3A_32 = vector.broadcast %broadcast_in_dim3A_30 : vector<128x4x1xf32> to vector<128x4x256xf32>
    %mul3A_33 = arith.mulf %mul3A_31, %mul3A_32 : vector<128x4x256xf32>
    %broadcast_in_dim3A_34 = vector.shape_cast %get3A_26 : vector<128x4xf32> to vector<128x4x1xf32>
    %add3A_35 = vector.broadcast %broadcast_in_dim3A_34 : vector<128x4x1xf32> to vector<128x4x256xf32>
    %add3A_36 = arith.addf %mul3A_33, %add3A_35 : vector<128x4x256xf32>
    %tanh3A_37 = math.tanh %add3A_36 : vector<128x4x256xf32>
    %reduce_sum3A_38 = arith.constant dense<0.000000e+00> : vector<128x256xf32>
    %reduce_sum3A_39 = vector.multi_reduction <add>, %tanh3A_37, %reduce_sum3A_38 [1] : vector<128x4x256xf32> to vector<128x256xf32>
    %logistic3A_40 = arith.negf %reduce_sum3A_39 : vector<128x256xf32>
    %logistic3A_41 = math.exp %logistic3A_40 : vector<128x256xf32>
    %logistic3A_42 = arith.constant 1.000000e+00 : f32
    %logistic3A_43 = vector.broadcast %logistic3A_42 : f32 to vector<128x256xf32>
    %logistic3A_44 = arith.addf %logistic3A_43, %logistic3A_41 : vector<128x256xf32>
    %logistic3A_45 = arith.divf %logistic3A_43, %logistic3A_44 : vector<128x256xf32>
    %get3A_46 = arith.constant 0 : index
    %get3A_47 = arith.constant 0 : index
    %get3A_48 = vector.load %arg11[%get3A_46, %get3A_47] : memref<256x128xi32, #tpu.memory_space<vmem>>, vector<256x128xi32>
    %get3A_49 = arith.constant dense<0> : vector<256x128xi32>
    %get3A_50 = arith.cmpi ne, %get3A_48, %get3A_49 : vector<256x128xi32>
    %convert_element_type3A = arith.extui %get3A_50 : vector<256x128xi1> to vector<256x128xi32>
    %convert_element_type3A_51 = arith.sitofp %convert_element_type3A : vector<256x128xi32> to vector<256x128xf32>
    %reduce_sum3A_52 = arith.constant dense<0.000000e+00> : vector<256xf32>
    %reduce_sum3A_53 = vector.multi_reduction <add>, %convert_element_type3A_51, %reduce_sum3A_52 [1] : vector<256x128xf32> to vector<256xf32>
    %broadcast_in_dim3A_54 = vector.shape_cast %reduce_sum3A_53 : vector<256xf32> to vector<256x1xf32>
    %gt3A = arith.constant 5.000000e-01 : f32
    %gt3A_55 = vector.broadcast %gt3A : f32 to vector<256x1xf32>
    %gt3A_56 = arith.cmpf ogt, %broadcast_in_dim3A_54, %gt3A_55 : vector<256x1xf32>
    %jit3A = arith.constant 1.000000e+00 : f32
    %broadcast_in_dim3A_57 = vector.shape_cast %gt3A_56 : vector<256x1xi1> to vector<256x1xi1>
    %broadcast_in_dim3A_58 = vector.broadcast %broadcast_in_dim3A_57 : vector<256x1xi1> to vector<256x128xi1>
    %broadcast_in_dim3A_59 = vector.broadcast %jit3A : f32 to vector<256x128xf32>
    %select_n3A = arith.select %broadcast_in_dim3A_58, %convert_element_type3A_51, %broadcast_in_dim3A_59 : vector<256x128xi1>, vector<256x128xf32>
    %mul3A_60 = arith.constant 1.250000e+00 : f32
    %mul3A_61 = vector.broadcast %mul3A_60 : f32 to vector<128x256xf32>
    %mul3A_62 = arith.mulf %logistic3A_45, %mul3A_61 : vector<128x256xf32>
    %exp3A = math.exp %mul3A_62 : vector<128x256xf32>
    %mul3A_63 = arith.mulf %exp3A, %logistic3A_45 : vector<128x256xf32>
    %dot_general3A = arith.constant dense<0.000000e+00> : vector<256x256xf32>
    %dot_general3A_64 = tpu.matmul %select_n3A, %mul3A_63, %dot_general3A {dimension_numbers = #tpu.dot_dimension_numbers<[1], [0], [0], [1], [0, 0, 1, 1], [], []>, transpose_lhs_hint = false} : vector<256x128xf32>, vector<128x256xf32>, vector<256x256xf32> -> vector<256x256xf32>
    %dot_general3A_65 = arith.constant dense<0.000000e+00> : vector<256x256xf32>
    %dot_general3A_66 = tpu.matmul %select_n3A, %exp3A, %dot_general3A_65 {dimension_numbers = #tpu.dot_dimension_numbers<[1], [0], [0], [1], [0, 0, 1, 1], [], []>, transpose_lhs_hint = false} : vector<256x128xf32>, vector<128x256xf32>, vector<256x256xf32> -> vector<256x256xf32>
    %div3A = arith.divf %dot_general3A_64, %dot_general3A_66 : vector<256x256xf32>
    %get3A_67 = arith.constant 0 : index
    %get3A_68 = arith.constant 0 : index
    %get3A_69 = arith.constant 0 : index
    %get3A_70 = vector.load %arg5[%get3A_67, %get3A_68, %get3A_69] : memref<256x4x8xf32, #tpu.memory_space<vmem>>, vector<256x4x8xf32>
    %get3A_71 = arith.constant 0 : index
    %get3A_72 = arith.constant 0 : index
    %get3A_73 = vector.load %arg6[%get3A_71, %get3A_72] : memref<256x4xf32, #tpu.memory_space<vmem>>, vector<256x4xf32>
    %reduce_sum3A_74 = arith.constant dense<0.000000e+00> : vector<256x4xf32>
    %reduce_sum3A_75 = vector.multi_reduction <add>, %get3A_70, %reduce_sum3A_74 [2] : vector<256x4x8xf32> to vector<256x4xf32>
    %broadcast_in_dim3A_76 = vector.shape_cast %div3A : vector<256x256xf32> to vector<256x1x256xf32>
    %broadcast_in_dim3A_77 = vector.shape_cast %reduce_sum3A_75 : vector<256x4xf32> to vector<256x4x1xf32>
    %mul3A_78 = vector.broadcast %broadcast_in_dim3A_76 : vector<256x1x256xf32> to vector<256x4x256xf32>
    %mul3A_79 = vector.broadcast %broadcast_in_dim3A_77 : vector<256x4x1xf32> to vector<256x4x256xf32>
    %mul3A_80 = arith.mulf %mul3A_78, %mul3A_79 : vector<256x4x256xf32>
    %broadcast_in_dim3A_81 = vector.shape_cast %get3A_73 : vector<256x4xf32> to vector<256x4x1xf32>
    %add3A_82 = vector.broadcast %broadcast_in_dim3A_81 : vector<256x4x1xf32> to vector<256x4x256xf32>
    %add3A_83 = arith.addf %mul3A_80, %add3A_82 : vector<256x4x256xf32>
    %tanh3A_84 = math.tanh %add3A_83 : vector<256x4x256xf32>
    %reduce_sum3A_85 = arith.constant dense<0.000000e+00> : vector<256x256xf32>
    %reduce_sum3A_86 = vector.multi_reduction <add>, %tanh3A_84, %reduce_sum3A_85 [1] : vector<256x4x256xf32> to vector<256x256xf32>
    %logistic3A_87 = arith.negf %reduce_sum3A_86 : vector<256x256xf32>
    %logistic3A_88 = math.exp %logistic3A_87 : vector<256x256xf32>
    %logistic3A_89 = arith.constant 1.000000e+00 : f32
    %logistic3A_90 = vector.broadcast %logistic3A_89 : f32 to vector<256x256xf32>
    %logistic3A_91 = arith.addf %logistic3A_90, %logistic3A_88 : vector<256x256xf32>
    %logistic3A_92 = arith.divf %logistic3A_90, %logistic3A_91 : vector<256x256xf32>
    %get3A_93 = arith.constant 0 : index
    %get3A_94 = arith.constant 0 : index
    %get3A_95 = vector.load %arg12[%get3A_93, %get3A_94] : memref<128x256xi32, #tpu.memory_space<vmem>>, vector<128x256xi32>
    %get3A_96 = arith.constant dense<0> : vector<128x256xi32>
    %get3A_97 = arith.cmpi ne, %get3A_95, %get3A_96 : vector<128x256xi32>
    %convert_element_type3A_98 = arith.extui %get3A_97 : vector<128x256xi1> to vector<128x256xi32>
    %convert_element_type3A_99 = arith.sitofp %convert_element_type3A_98 : vector<128x256xi32> to vector<128x256xf32>
    %reduce_sum3A_100 = arith.constant dense<0.000000e+00> : vector<128xf32>
    %reduce_sum3A_101 = vector.multi_reduction <add>, %convert_element_type3A_99, %reduce_sum3A_100 [1] : vector<128x256xf32> to vector<128xf32>
    %broadcast_in_dim3A_102 = vector.shape_cast %reduce_sum3A_101 : vector<128xf32> to vector<128x1xf32>
    %gt3A_103 = arith.constant 5.000000e-01 : f32
    %gt3A_104 = vector.broadcast %gt3A_103 : f32 to vector<128x1xf32>
    %gt3A_105 = arith.cmpf ogt, %broadcast_in_dim3A_102, %gt3A_104 : vector<128x1xf32>
    %jit3A_106 = arith.constant 1.000000e+00 : f32
    %broadcast_in_dim3A_107 = vector.shape_cast %gt3A_105 : vector<128x1xi1> to vector<128x1xi1>
    %broadcast_in_dim3A_108 = vector.broadcast %broadcast_in_dim3A_107 : vector<128x1xi1> to vector<128x256xi1>
    %broadcast_in_dim3A_109 = vector.broadcast %jit3A_106 : f32 to vector<128x256xf32>
    %select_n3A_110 = arith.select %broadcast_in_dim3A_108, %convert_element_type3A_99, %broadcast_in_dim3A_109 : vector<128x256xi1>, vector<128x256xf32>
    %mul3A_111 = arith.constant 1.250000e+00 : f32
    %mul3A_112 = vector.broadcast %mul3A_111 : f32 to vector<256x256xf32>
    %mul3A_113 = arith.mulf %logistic3A_92, %mul3A_112 : vector<256x256xf32>
    %exp3A_114 = math.exp %mul3A_113 : vector<256x256xf32>
    %mul3A_115 = arith.mulf %exp3A_114, %logistic3A_92 : vector<256x256xf32>
    %dot_general3A_116 = arith.constant dense<0.000000e+00> : vector<128x256xf32>
    %dot_general3A_117 = tpu.matmul %select_n3A_110, %mul3A_115, %dot_general3A_116 {dimension_numbers = #tpu.dot_dimension_numbers<[1], [0], [0], [1], [0, 0, 1, 1], [], []>, transpose_lhs_hint = false} : vector<128x256xf32>, vector<256x256xf32>, vector<128x256xf32> -> vector<128x256xf32>
    %dot_general3A_118 = arith.constant dense<0.000000e+00> : vector<128x256xf32>
    %dot_general3A_119 = tpu.matmul %select_n3A_110, %exp3A_114, %dot_general3A_118 {dimension_numbers = #tpu.dot_dimension_numbers<[1], [0], [0], [1], [0, 0, 1, 1], [], []>, transpose_lhs_hint = false} : vector<128x256xf32>, vector<256x256xf32>, vector<128x256xf32> -> vector<128x256xf32>
    %div3A_120 = arith.divf %dot_general3A_117, %dot_general3A_119 : vector<128x256xf32>
    %get3A_121 = arith.constant 0 : index
    %get3A_122 = arith.constant 0 : index
    %get3A_123 = arith.constant 0 : index
    %get3A_124 = vector.load %arg7[%get3A_121, %get3A_122, %get3A_123] : memref<128x4x8xf32, #tpu.memory_space<vmem>>, vector<128x4x8xf32>
    %get3A_125 = arith.constant 0 : index
    %get3A_126 = arith.constant 0 : index
    %get3A_127 = vector.load %arg8[%get3A_125, %get3A_126] : memref<128x4xf32, #tpu.memory_space<vmem>>, vector<128x4xf32>
    %reduce_sum3A_128 = arith.constant dense<0.000000e+00> : vector<128x4xf32>
    %reduce_sum3A_129 = vector.multi_reduction <add>, %get3A_124, %reduce_sum3A_128 [2] : vector<128x4x8xf32> to vector<128x4xf32>
    %broadcast_in_dim3A_130 = vector.shape_cast %div3A_120 : vector<128x256xf32> to vector<128x1x256xf32>
    %broadcast_in_dim3A_131 = vector.shape_cast %reduce_sum3A_129 : vector<128x4xf32> to vector<128x4x1xf32>
    %mul3A_132 = vector.broadcast %broadcast_in_dim3A_130 : vector<128x1x256xf32> to vector<128x4x256xf32>
    %mul3A_133 = vector.broadcast %broadcast_in_dim3A_131 : vector<128x4x1xf32> to vector<128x4x256xf32>
    %mul3A_134 = arith.mulf %mul3A_132, %mul3A_133 : vector<128x4x256xf32>
    %broadcast_in_dim3A_135 = vector.shape_cast %get3A_127 : vector<128x4xf32> to vector<128x4x1xf32>
    %add3A_136 = vector.broadcast %broadcast_in_dim3A_135 : vector<128x4x1xf32> to vector<128x4x256xf32>
    %add3A_137 = arith.addf %mul3A_134, %add3A_136 : vector<128x4x256xf32>
    %tanh3A_138 = math.tanh %add3A_137 : vector<128x4x256xf32>
    %reduce_sum3A_139 = arith.constant dense<0.000000e+00> : vector<128x256xf32>
    %reduce_sum3A_140 = vector.multi_reduction <add>, %tanh3A_138, %reduce_sum3A_139 [1] : vector<128x4x256xf32> to vector<128x256xf32>
    %logistic3A_141 = arith.negf %reduce_sum3A_140 : vector<128x256xf32>
    %logistic3A_142 = math.exp %logistic3A_141 : vector<128x256xf32>
    %logistic3A_143 = arith.constant 1.000000e+00 : f32
    %logistic3A_144 = vector.broadcast %logistic3A_143 : f32 to vector<128x256xf32>
    %logistic3A_145 = arith.addf %logistic3A_144, %logistic3A_142 : vector<128x256xf32>
    %logistic3A_146 = arith.divf %logistic3A_144, %logistic3A_145 : vector<128x256xf32>
    %get3A_147 = arith.constant 0 : index
    %get3A_148 = arith.constant 0 : index
    %get3A_149 = vector.load %arg9[%get3A_147, %get3A_148] : memref<1000x128xf32, #tpu.memory_space<vmem>>, vector<1000x128xf32>
    %dot_general3A_150 = arith.constant dense<0.000000e+00> : vector<256x1000xf32>
    %dot_general3A_151 = tpu.matmul %logistic3A_146, %get3A_149, %dot_general3A_150 {dimension_numbers = #tpu.dot_dimension_numbers<[0], [1], [1], [0], [0, 1, 1, 0], [], []>, transpose_lhs_hint = false} : vector<128x256xf32>, vector<1000x128xf32>, vector<256x1000xf32> -> vector<256x1000xf32>
    %get3A_152 = arith.constant 0 : index
    %get3A_153 = arith.constant 0 : index
    %get3A_154 = vector.load %arg10[%get3A_152, %get3A_153] : memref<1x1000xf32, #tpu.memory_space<vmem>>, vector<1x1000xf32>
    %add3A_155 = vector.broadcast %get3A_154 : vector<1x1000xf32> to vector<256x1000xf32>
    %add3A_156 = arith.addf %dot_general3A_151, %add3A_155 : vector<256x1000xf32>
    %swap3A = arith.constant 0 : index
    %swap3A_157 = arith.constant 0 : index
    %swap3A_158 = vector.load %arg13[%swap3A, %swap3A_157] : memref<256x1000xf32, #tpu.memory_space<vmem>>, vector<256x1000xf32>
    tpu.vector_store %arg13[%swap3A, %swap3A_157], %add3A_156 {strides = array<i32>} : memref<256x1000xf32, #tpu.memory_space<vmem>>, vector<256x1000xf32>,
    return
  }
}

</mosaic_0001>

<sc_bundles>
// kernel: kernel.4.cloned.1.call-start
scs
__scs_entry_jumppad:
0x0: {  	(pc) =	sbr.rel $0x88, $3  }
0x1: {  	(tag) =	ssettag $0x0;
	lr =	simm.s32 $0x1  }
0x2: {  	[smem:$0x3F93] =	sst lr;
	_ =	strace $0xD0000000  }
0x3: {  	_ = 	snop  }
0x4: {  	_ = 	snop  }
0x5: {  	_ = 	snop  }
0x6: {  	_ = 	snop  }
0x7: {  	_ = 	snop  }
__scs_overlays_trampoline_lowered:
0x8: {  	[smem:$0x3FA2] =	sst s0  }
0x9: {  	[smem:$0x3FA3] =	sst s1  }
0xa: {  	[smem:$0x3FA4] =	sst s2  }
0xb: {  	[smem:$0x3FA5] =	sst s3  }
0xc: {  	[smem:$0x3FA6] =	sst s4  }
0xd: {  	[smem:$0x3FA7] =	sst s5  }
0xe: {  	[smem:$0x3FA8] =	sst s6  }
0xf: {  	[smem:$0x3FA9] =	sst s7  }
0x10: {  	[smem:$0x3FAA] =	sst s8  }
0x11: {  	[smem:$0x3FAB] =	sst s9;
	s0 =	simm.s32 @!p0 $0x0  }
0x12: {  	s1 =	sld [smem:$0x3F91];
	s0 =	simm.s32 @p0 $0x1  }
0x13: {  	[smem:$0x3FAC] =	sst s0;
	s0 =	simm.s32 @!p1 $0x0  }
0x14: {  	s2 =	sld [smem:$0x3F90];
	s0 =	simm.s32 @p1 $0x1  }
0x15: {  	[smem:$0x3FAD] =	sst s0;
	s0 =	simm.s32 @!p2 $0x0  }
0x16: {  	s3 =	sld [smem:$0x3FDB];
	s0 =	simm.s32 @p2 $0x1  }
0x17: {  	s4 =	simm.s32 $0x1BF5;
	[smem:$0x3FAF] =	sst s0  }
0x18: {  	s0 =	sld [smem:$0x3F92];
	_ =	swait.ge [sflag:s4], $0x0  }
0x19: {  	s7 =	sld [smem:$0x3F93]  }
0x1a: {  	s8 =	sadd.s32 $0xFFFFE003, lr  }
0x1b: {  	s9 =	sadd.s32 $0xFFFFFEF7, lr;
	s5 =	simm.s32 $0xFFFFFFFF;
	p2 =	slt.u32 s8, $0xFFFFF086  }
0x1c: {  	p1 =	slt.u32 s9, $0xF7A;
	s5 =	simm.s32 @!p2 $0x0  }
0x1d: {  	s5 =	simm.s32 @p1 $0x1;
	p0 =	seq.s32 s7, s2  }
0x1e: {  	s7 =	smul.u32 @!p0 $0xF7A, s2;
	p2 =	seq.s32 @!p0 s5, $0x0  }
0x1f: {  	s9 =	smul.u32 $0xF7A, s1;
	s8 =	simm.s32 @!p0 $0x1BF5;
	p2 =	por !p2, p0  }
0x20: {  	[sflag:s8] =	ssyncset.s32 @!p0 $0xFFFFF086;
	s6 =	sadd.s32 @!p0 s3, s7;
	s7 =	simm.s32 @!p0 $0x108  }
0x21: {  	s3 =	sadd.s32 s3, s9;
	s6 =	sadd.s32 @!p0 $0x88, s6;
	s7 =	simm.s32 @p2 $0x1082  }
0x22: {  	[simem:s7], [sflag:s8] =	dma.local @!p0 [hbm:s6], $0xF7A  }
0x23: {  	s9 =	sor.u32 $0xD0000000, s2;
	s6 =	simm.s32 $0x108;
	_ =	swait.ge @!p0 [sflag:s8], $0x0  }
0x24: {  	s3 =	sadd.s32 $0x88, s3;
	s6 =	simm.s32 @!p1 $0x1082;
	[sflag:s4] =	ssyncset.s32 $0xFFFFF086  }
0x25: {  	[simem:s6], [sflag:s4] =	dma.local [hbm:s3], $0xF7A  }
0x26: {  	[smem:$0x3F93] =	sst s1;
	(tag) =	ssettag s2;
	_ =	strace s9  }
0x27: {  	s1 =	sld [smem:$0x3FA3]  }
0x28: {  	s2 =	sld [smem:$0x3FA4]  }
0x29: {  	s4 =	sld [smem:$0x3FA6]  }
0x2a: {  	p0 =	seq.s32 s5, $0x0;
	s5 =	sld [smem:$0x3FA7]  }
0x2b: {  	s6 =	sld [smem:$0x3FA8]  }
0x2c: {  	s7 =	sld [smem:$0x3FA9]  }
0x2d: {  	s3 =	simm.s32 $0x108;
	s8 =	sld [smem:$0x3FAA]  }
0x2e: {  	s3 =	simm.s32 @!p0 $0x1082;
	s9 =	sld [smem:$0x3FAB]  }
0x2f: {  	lr =	sadd.s32 s0, s3;
	s0 =	sld [smem:$0x3FA2]  }
0x30: {  	s3 =	sld [smem:$0x3FA5]  }
0x31: {  	[smem:$0x3FAE] =	sst s10  }
0x32: {  	s10 =	sld [smem:$0x3FAC];
	_ =	sdelay $0x3  }
0x33: {  	p0 =	seq.s32 s10, $0x1;
	s10 =	sld [smem:$0x3FAE];
	_ =	sdelay $0x3  }
0x34: {  	[smem:$0x3FAE] =	sst s10  }
0x35: {  	s10 =	sld [smem:$0x3FAD];
	_ =	sdelay $0x3  }
0x36: {  	p1 =	seq.s32 s10, $0x1;
	s10 =	sld [smem:$0x3FAE];
	_ =	sdelay $0x3  }
0x37: {  	[smem:$0x3FAE] =	sst s10  }
0x38: {  	s10 =	sld [smem:$0x3FAF]  }
0x39: {  	_ = 	snop;
	(pc) =	sbr.ind lr, $3  }
0x3a: {  	_ = 	snop  }
0x3b: {  	_ = 	snop  }
0x3c: {  	p2 =	seq.s32 s10, $0x1;
	s10 =	sld [smem:$0x3FAE]  }
0x3d: {  	_ =	shalt  }
0x3e: {  	_ =	shalt  }
0x3f: {  	_ =	shalt  }
0x40: {  	_ =	shalt  }
0x41: {  	_ =	shalt  }
0x42: {  	_ =	shalt  }
0x43: {  	_ =	shalt  }
0x44: {  	_ =	shalt  }
0x45: {  	_ =	shalt  }
0x46: {  	_ =	shalt  }
0x47: {  	_ =	shalt  }
0x48: {  	_ =	shalt  }
0x49: {  	_ =	shalt  }
0x4a: {  	_ =	shalt  }
0x4b: {  	_ =	shalt  }
0x4c: {  	_ =	shalt  }
0x4d: {  	_ =	shalt  }
0x4e: {  	_ =	shalt  }
0x4f: {  	_ =	shalt  }
0x50: {  	_ =	shalt  }
0x51: {  	_ =	shalt  }
0x52: {  	_ =	shalt  }
0x53: {  	_ =	shalt  }
0x54: {  	_ =	shalt  }
0x55: {  	_ =	shalt  }
0x56: {  	_ =	shalt  }
0x57: {  	_ =	shalt  }
0x58: {  	_ =	shalt  }
0x59: {  	_ =	shalt  }
0x5a: {  	_ =	shalt  }
0x5b: {  	_ =	shalt  }
0x5c: {  	_ =	shalt  }
0x5d: {  	_ =	shalt  }
0x5e: {  	_ =	shalt  }
0x5f: {  	_ =	shalt  }
0x60: {  	_ =	shalt  }
0x61: {  	_ =	shalt  }
0x62: {  	_ =	shalt  }
0x63: {  	_ =	shalt  }
0x64: {  	_ =	shalt  }
0x65: {  	_ =	shalt  }
0x66: {  	_ =	shalt  }
0x67: {  	_ =	shalt  }
0x68: {  	_ =	shalt  }
0x69: {  	_ =	shalt  }
0x6a: {  	_ =	shalt  }
0x6b: {  	_ =	shalt  }
0x6c: {  	_ =	shalt  }
0x6d: {  	_ =	shalt  }
0x6e: {  	_ =	shalt  }
0x6f: {  	_ =	shalt  }
0x70: {  	_ =	shalt  }
0x71: {  	_ =	shalt  }
0x72: {  	_ =	shalt  }
0x73: {  	_ =	shalt  }
0x74: {  	_ =	shalt  }
0x75: {  	_ =	shalt  }
0x76: {  	_ =	shalt  }
0x77: {  	_ =	shalt  }
0x78: {  	_ =	shalt  }
0x79: {  	_ =	shalt  }
0x7a: {  	_ =	shalt  }
0x7b: {  	_ =	shalt  }
0x7c: {  	_ =	shalt  }
0x7d: {  	_ =	shalt  }
0x7e: {  	_ =	shalt  }
0x7f: {  	_ =	shalt  }
0x80: {  	_ =	shalt  }
0x81: {  	_ =	shalt  }
0x82: {  	_ =	shalt  }
0x83: {  	_ =	shalt  }
0x84: {  	_ =	shalt  }
0x85: {  	_ =	shalt  }
0x86: {  	_ =	shalt  }
0x87: {  	_ =	shalt  }
.Lfunc_end0:
.L_simem_size_0:
called_computation_lowered:
.L_overlay_start_0:
0x88: {  	s0 =	sld [smem:$0x3FD9]  }
0x89: {  	s1 =	sld [smem:$0x3FFE];
	_ =	sdelay $0x3  }
0x8a: {  	s0 =	sadd.s32 s1, s0  }
0x8b: {  	[smem:$0x3FBA] =	sst s0  }
0x8c: {  	_ = 	snop  }
0x8d: {  	s0 =	sld [smem:$0x3FC9]  }
0x8e: {  	s16 =	sld [smem:$0x3FD0];
	(tm) =	ssettm $0x1  }
0x8f: {  	s2 =	sld [smem:$0x3FFB];
	_ =	sdelay $0x3  }
0x90: {  	_ =	strace s2  }
0x91: {  	s2 =	sld [smem:$0x3FFC];
	_ =	sdelay $0x3  }
0x92: {  	_ =	strace s2  }
0x93: {  	s2 =	sld [smem:$0x3FFD];
	_ =	sdelay $0x3  }
0x94: {  	_ =	strace s2  }
0x95: {  	_ =	strace $0x8FFFFFFF  }
0x96: {  	s17 =	sld [smem:$0x3FDB];
	_ =	sdelay $0x1  }
0x97: {  	s3 =	simm.s32 $_scs_section_size  }
0x98: {  	s4 =	simm.s32 $_size__tile_overlayer_lowered;
	s5 =	simm.s32 $_tile_overlayer_lowered  }
0x99: {  	s20 =	simm.s32 $0x1BFF;
	s19 =	sshll.u32 s5, $0x1;
	s2 =	sadd.s32 s3, s17  }
0x9a: {  	s6 =	simm.s32 $0x0;
	s18 =	sshll.u32 s4, $0x1;
	s4 =	sadd.s32 s19, s2  }
0x9b: {  	[timem:s6], [sflag:s20] =	dma.local [hbm:s4], s18  }
0x9c: {  	_ =	swait.ge [sflag:s20], s18  }
0x9d: {  	s3 =	ssub.s32 $0x0, s18;
	[sflag:s20] =	ssyncset.done $0x0  }
0x9e: {  	[sflag:s20] =	ssyncadd.s32 s3;
	_ =	sdelay $0x1  }
0x9f: {  	s21 =	simm.s32 $0x1B8B  }
0xa0: {  	_ =	swait.ge [sflag:s21], $0x1  }
0xa1: {  	[sflag:s21] =	ssyncset.done $0x0  }
0xa2: {  	s23 =	simm.s32 $0x1B8E;
	s22 =	sld [smem:$0x3FFE];
	[sflag:s21] =	ssyncadd.s32 $0xFFFFFFFF  }
0xa3: {  	s24 =	simm.s32 $execute0_lowered;
	[smem:$0x3FD2] =	sst s23  }
0xa4: {  	s4 =	sshll.u32 s24, $0x1;
	_ =	strace $0x80000046;
	[dreg:$0x1] =	wrdreg $0xFFFFFFFF  }
0xa5: {  	s25 =	simm.s32 $_size_execute0_lowered;
	s2 =	sadd.s32 s2, s4;
	[dreg:$0x0] =	wrdreg $0x0  }
0xa6: {  	s4 =	sshll.u32 s25, $0x1;
	[dreg:$0x2] =	wrdreg s2  }
0xa7: {  	[dreg:$0x3] =	wrdreg s4  }
0xa8: {  	[dreg:$0x4] =	wrdreg $0xC0  }
0xa9: {  	_ =	task [dreg:s6], $0x5FFFF  }
0xaa: {  	[dreg:$0x1] =	wrdreg $0xFFFFFFFF  }
0xab: {  	[dreg:$0x0] =	wrdreg $0x60  }
0xac: {  	[dreg:$0x2] =	wrdreg s0  }
0xad: {  	[dreg:$0x3] =	wrdreg s16  }
0xae: {  	[dreg:$0x4] =	wrdreg s22  }
0xaf: {  	[dreg:$0x5] =	wrdreg $0x9  }
0xb0: {  	_ =	task.clear_ibuf [dreg:s6], $0x6FFFF;
	_ =	strace $0x90000046  }
0xb1: {  	s26 =	simm.s32 $0x9;
	_ =	strace $0x80000048  }
0xb2: {  	_ =	swait.ge [sflag:s26], $0x1  }
0xb3: {  	[sflag:s26] =	ssyncadd.s32 $0xFFFFFFFF  }
0xb4: {  	_ =	strace $0x90000048  }
0xb5: {  	_ =	sfence  }
0xb6: {  	s28 =	sld [smem:$0x0];
	_ =	sdelay $0x1  }
0xb7: {  	s29 =	srdreg.scid  }
0xb8: {  	s30 =	sshll.u32 s29, $0xD;
	s31 =	sshrl.u32 s29, $0x2  }
0xb9: {  	s1 =	sand.u32 $0x1, s29;
	s2 =	sand.u32 $0x4000, s30;
	s0 =	sadd.s32 s31, s28  }
0xba: {  	s1 =	sor.u32 s2, s1;
	s0 =	sshll.u32 s0, $0x11  }
0xbb: {  	s0 =	sor.u32 s0, s1  }
0xbc: {  	s0 =	sadd.s32 $0x8F2B, s0  }
0xbd: {  	[sflag:s0] =	ssyncadd.remote.s32 $0x1  }
0xbe: {  	_ =	sfence.sel $0xFFFF  }
0xbf: {  	[dreg:$0x0] =	wrdreg $0xFFFFFFFF;
	(pc) =	sbr.abs _section_cstart, $3  }
0xc0: {  	[dreg:$0x1] =	wrdreg $0xFFFFFFFF  }
0xc1: {  	_ =	task.clear_ibuf [dreg:s6], $0x2FFFF;
	_ =	strace $0x9FFFFFFF  }
0xc2: {  	(tm) =	ssettm $0x7FFFFFFF  }
0xc3: {  	_ =	shalt  }
tec
execute0_lowered:
.L_overlay_start_1:
0x0: {  	(tag) =	ssettag $0x1  }
0x1: {  	s4 =	rddreg [dreg:$0x0]  }
0x2: {  	s5 =	rddreg [dreg:$0x1]  }
0x3: {  	s3 =	rddreg [dreg:$0x2]  }
0x4: {  	s0 =	rddreg [dreg:$0x3];
	s2 =	simm.s32 $0x0;
	s1 =	stileid.u32  }
0x5: {  	[smem:$0x7FF] =	sst s2;
	s6 =	sshll.u32 s1, $0x4  }
0x6: {  	s13 =	simm.s32 $0x2;
	_ =	strace $0x80000047;
	s5 =	sadd.s32 s5, s6  }
0x7: {  	[tilespmem:s2], [sflag:$0x2] =	stream.linear.gather [hbm4b:s5+s2], $0x80, $0x38;
	[tilespmem:$0x8080] =	vst v63  }
0x8: {  	_ =	swait.ge [sflag:s13], $0x80  }
0x9: {  	[sflag:s13] =	ssyncset.done $0x0  }
0xa: {  	[sflag:s13] =	ssyncadd.s32 $0xFFFFFF80  }
0xb: {  	v0 =	vld [tilespmem:$0x0];
	_ =	sdelay $0x4  }
0xc: {  	v1 =	vshll.u32 v0, $0x1  }
0xd: {  	v2 =	vlaneseq.u32;
	v0 =	vand.u32 $0x7, v0;
	v1 =	vand.u32 $0xFFFFFFF0, v1  }
0xe: {  	v56 =	vand.u32 $0x7, v2;
	v3 =	vshrl.u32 v2, $0x3;
	v0 =	vor.u32 v0, v1  }
0xf: {  	v3 =	vmul.u32 $0x8, v3;
	v4 =	vperm.xlane v0, v56  }
0x10: {  	v2 =	vor.u32 $0x8, v2  }
0x11: {  	v0 =	vperm.xlane v0, v2;
	v4 =	vadd.s32 v3, v4;
	_ =	sdelay $0x1  }
0x12: {  	v0 =	vadd.s32 v3, v0;
	_ =	sdelay $0x1  }
0x13: {  	vm0 =	vmmov $0xffff;
	s14 =	simm.s32 $0x80  }
0x14: {  	[tilespmem:s14], [sflag:$0x1] =	stream.indirect_vreg.gather [hbm4b:s4+s2], $0x80, v4, vm0, $0xb8;
	[tilespmem:$0x8080] =	vst v63  }
0x15: {  	s7 =	simm.s32 $0x880  }
0x16: {  	[tilespmem:s7], [sflag:$0x1] =	stream.indirect_vreg.gather [hbm4b:s4+s2], $0x80, v0, vm0, $0xb8;
	[tilespmem:$0x8080] =	vst v63  }
0x17: {  	v0 =	vld [tilespmem:$0x10];
	_ =	sdelay $0x4  }
0x18: {  	v57 =	vshll.u32 v0, $0x1  }
0x19: {  	v0 =	vand.u32 $0x7, v0;
	v4 =	vand.u32 $0xFFFFFFF0, v57  }
0x1a: {  	v0 =	vor.u32 v0, v4  }
0x1b: {  	v4 =	vperm.xlane v0, v56;
	_ =	sdelay $0x1  }
0x1c: {  	v0 =	vperm.xlane v0, v2;
	v4 =	vadd.s32 v3, v4;
	_ =	sdelay $0x1  }
0x1d: {  	v0 =	vadd.s32 v3, v0;
	_ =	sdelay $0x1  }
0x1e: {  	s15 =	simm.s32 $0x1080  }
0x1f: {  	[tilespmem:s15], [sflag:$0x1] =	stream.indirect_vreg.gather [hbm4b:s4+s2], $0x80, v4, vm0, $0xb8;
	[tilespmem:$0x8080] =	vst v63  }
0x20: {  	s16 =	simm.s32 $0x1880  }
0x21: {  	[tilespmem:s16], [sflag:$0x1] =	stream.indirect_vreg.gather [hbm4b:s4+s2], $0x80, v0, vm0, $0xb8;
	[tilespmem:$0x8080] =	vst v63  }
0x22: {  	v0 =	vld [tilespmem:$0x20];
	_ =	sdelay $0x4  }
0x23: {  	v58 =	vshll.u32 v0, $0x1  }
0x24: {  	v0 =	vand.u32 $0x7, v0;
	v4 =	vand.u32 $0xFFFFFFF0, v58  }
0x25: {  	v0 =	vor.u32 v0, v4  }
0x26: {  	v4 =	vperm.xlane v0, v56;
	_ =	sdelay $0x1  }
0x27: {  	v0 =	vperm.xlane v0, v2;
	v4 =	vadd.s32 v3, v4;
	_ =	sdelay $0x1  }
0x28: {  	v0 =	vadd.s32 v3, v0;
	_ =	sdelay $0x1  }
0x29: {  	s17 =	simm.s32 $0x2080  }
0x2a: {  	[tilespmem:s17], [sflag:$0x1] =	stream.indirect_vreg.gather [hbm4b:s4+s2], $0x80, v4, vm0, $0xb8;
	[tilespmem:$0x8080] =	vst v63  }
0x2b: {  	s18 =	simm.s32 $0x2880  }
0x2c: {  	[tilespmem:s18], [sflag:$0x1] =	stream.indirect_vreg.gather [hbm4b:s4+s2], $0x80, v0, vm0, $0xb8;
	[tilespmem:$0x8080] =	vst v63  }
0x2d: {  	v0 =	vld [tilespmem:$0x30];
	_ =	sdelay $0x4  }
0x2e: {  	v59 =	vshll.u32 v0, $0x1  }
0x2f: {  	v0 =	vand.u32 $0x7, v0;
	v4 =	vand.u32 $0xFFFFFFF0, v59  }
0x30: {  	v0 =	vor.u32 v0, v4  }
0x31: {  	v4 =	vperm.xlane v0, v56;
	_ =	sdelay $0x1  }
0x32: {  	v0 =	vperm.xlane v0, v2;
	v4 =	vadd.s32 v3, v4;
	_ =	sdelay $0x1  }
0x33: {  	v0 =	vadd.s32 v3, v0;
	_ =	sdelay $0x1  }
0x34: {  	s19 =	simm.s32 $0x3080  }
0x35: {  	[tilespmem:s19], [sflag:$0x1] =	stream.indirect_vreg.gather [hbm4b:s4+s2], $0x80, v4, vm0, $0xb8;
	[tilespmem:$0x8080] =	vst v63  }
0x36: {  	s20 =	simm.s32 $0x3880  }
0x37: {  	[tilespmem:s20], [sflag:$0x1] =	stream.indirect_vreg.gather [hbm4b:s4+s2], $0x80, v0, vm0, $0xb8;
	[tilespmem:$0x8080] =	vst v63  }
0x38: {  	v0 =	vld [tilespmem:$0x40];
	_ =	sdelay $0x4  }
0x39: {  	v60 =	vshll.u32 v0, $0x1  }
0x3a: {  	v0 =	vand.u32 $0x7, v0;
	v4 =	vand.u32 $0xFFFFFFF0, v60  }
0x3b: {  	v0 =	vor.u32 v0, v4  }
0x3c: {  	v4 =	vperm.xlane v0, v56;
	_ =	sdelay $0x1  }
0x3d: {  	v0 =	vperm.xlane v0, v2;
	v4 =	vadd.s32 v3, v4;
	_ =	sdelay $0x1  }
0x3e: {  	v0 =	vadd.s32 v3, v0;
	_ =	sdelay $0x1  }
0x3f: {  	s21 =	simm.s32 $0x4080  }
0x40: {  	[tilespmem:s21], [sflag:$0x1] =	stream.indirect_vreg.gather [hbm4b:s4+s2], $0x80, v4, vm0, $0xb8;
	[tilespmem:$0x8080] =	vst v63  }
0x41: {  	s22 =	simm.s32 $0x4880  }
0x42: {  	[tilespmem:s22], [sflag:$0x1] =	stream.indirect_vreg.gather [hbm4b:s4+s2], $0x80, v0, vm0, $0xb8;
	[tilespmem:$0x8080] =	vst v63  }
0x43: {  	v0 =	vld [tilespmem:$0x50];
	_ =	sdelay $0x4  }
0x44: {  	v61 =	vshll.u32 v0, $0x1  }
0x45: {  	v0 =	vand.u32 $0x7, v0;
	v4 =	vand.u32 $0xFFFFFFF0, v61  }
0x46: {  	v0 =	vor.u32 v0, v4  }
0x47: {  	v4 =	vperm.xlane v0, v56;
	_ =	sdelay $0x1  }
0x48: {  	v0 =	vperm.xlane v0, v2;
	v4 =	vadd.s32 v3, v4;
	_ =	sdelay $0x1  }
0x49: {  	v0 =	vadd.s32 v3, v0;
	_ =	sdelay $0x1  }
0x4a: {  	s23 =	simm.s32 $0x5080  }
0x4b: {  	[tilespmem:s23], [sflag:$0x1] =	stream.indirect_vreg.gather [hbm4b:s4+s2], $0x80, v4, vm0, $0xb8;
	[tilespmem:$0x8080] =	vst v63  }
0x4c: {  	s24 =	simm.s32 $0x5880  }
0x4d: {  	[tilespmem:s24], [sflag:$0x1] =	stream.indirect_vreg.gather [hbm4b:s4+s2], $0x80, v0, vm0, $0xb8;
	[tilespmem:$0x8080] =	vst v63  }
0x4e: {  	v0 =	vld [tilespmem:$0x60];
	_ =	sdelay $0x4  }
0x4f: {  	v62 =	vshll.u32 v0, $0x1  }
0x50: {  	v0 =	vand.u32 $0x7, v0;
	v4 =	vand.u32 $0xFFFFFFF0, v62  }
0x51: {  	v0 =	vor.u32 v0, v4  }
0x52: {  	v4 =	vperm.xlane v0, v56;
	_ =	sdelay $0x1  }
0x53: {  	v0 =	vperm.xlane v0, v2;
	v4 =	vadd.s32 v3, v4;
	_ =	sdelay $0x1  }
0x54: {  	v0 =	vadd.s32 v3, v0;
	_ =	sdelay $0x1  }
0x55: {  	s25 =	simm.s32 $0x6080  }
0x56: {  	[tilespmem:s25], [sflag:$0x1] =	stream.indirect_vreg.gather [hbm4b:s4+s2], $0x80, v4, vm0, $0xb8;
	[tilespmem:$0x8080] =	vst v63  }
0x57: {  	s26 =	simm.s32 $0x6880  }
0x58: {  	[tilespmem:s26], [sflag:$0x1] =	stream.indirect_vreg.gather [hbm4b:s4+s2], $0x80, v0, vm0, $0xb8;
	[tilespmem:$0x8080] =	vst v63  }
0x59: {  	v0 =	vld [tilespmem:$0x70];
	_ =	sdelay $0x4  }
0x5a: {  	v63 =	vshll.u32 v0, $0x1  }
0x5b: {  	v0 =	vand.u32 $0x7, v0;
	v4 =	vand.u32 $0xFFFFFFF0, v63  }
0x5c: {  	v0 =	vor.u32 v0, v4  }
0x5d: {  	v1 =	vperm.xlane v0, v56;
	_ =	sdelay $0x1  }
0x5e: {  	v0 =	vperm.xlane v0, v2;
	v1 =	vadd.s32 v3, v1;
	_ =	sdelay $0x1  }
0x5f: {  	v0 =	vadd.s32 v3, v0;
	_ =	sdelay $0x1  }
0x60: {  	s28 =	simm.s32 $0x7080  }
0x61: {  	[tilespmem:s28], [sflag:$0x1] =	stream.indirect_vreg.gather [hbm4b:s4+s2], $0x80, v1, vm0, $0xb8;
	[tilespmem:$0x8080] =	vst v63  }
0x62: {  	s29 =	simm.s32 $0x7880;
	s30 =	simm.s32 $0x1  }
0x63: {  	[tilespmem:s29], [sflag:$0x1] =	stream.indirect_vreg.gather [hbm4b:s4+s2], $0x80, v0, vm0, $0xb8;
	[tilespmem:$0x8080] =	vst v63  }
0x64: {  	s31 =	sshll.u32 s1, $0xC;
	_ =	swait.ge [sflag:s30], $0x8000  }
0x65: {  	s3 =	sadd.s32 s31, s3;
	[sflag:s30] =	ssyncset.done $0x0  }
0x66: {  	s3 =	sadd.s32 $0x1E00, s3;
	[sflag:s30] =	ssyncadd.s32 $0xFFFF8000  }
0x67: {  	[hbm4b:s3+s2] =	stream.linear.scatter [tilespmem:s14], [sflag:$0x2], $0x8000, $0x38;
	[tilespmem:$0x8080] =	vst v63  }
0x68: {  	_ =	swait.ge [sflag:s13], $0x8000  }
0x69: {  	[sflag:s13] =	ssyncset.done $0x0  }
0x6a: {  	[sflag:s13] =	ssyncadd.s32 $0xFFFF8000  }
0x6b: {  	_ =	sfence.sel $0x180000  }
0x6c: {  	[bflag:$0x0] =	sbarrier.arrive $0xFFFF  }
0x6d: {  	p0 =	sne.s32 s1, $0x0;
	_ =	strace $0x90000047  }
0x6e: {  	s0 =	sadd.s32 @!p0 $0x100000, s0;
	[bflag:$0x2] =	sbarrier.arrive $0xFFFF  }
0x6f: {  	[sflag:s0] =	ssyncadd.tile.s32 @!p0 $0x1;
	_ =	shalt  }
.Lfunc_end2:
_tile_overlayer_lowered:
.L_overlay_start_2:
0x70: {  	(tag) =	ssettag $0x2  }
0x71: {  	s0 =	rddreg [dreg:$0x0];
	s2 =	stileid.u32  }
0x72: {  	s1 =	rddreg [dreg:$0x1];
	p0 =	sne.s32 s2, $0x0  }
0x73: {  	s3 =	rddreg [dreg:$0x2];
	[bflag:$0x3] =	sbarrier.arrive $0xFFFF;
	s2 =	simm.s32 @!p0 $0x1C02  }
0x74: {  	[timem:s3], [sflag:s2] =	dma.local @!p0 [hbm:s0], s1  }
0x75: {  	s0 =	simm.s32 @!p0 $0x2  }
0x76: {  	_ =	swait.ge @!p0 [sflag:s0], s1  }
0x77: {  	s1 =	ssub.s32 @!p0 $0x0, s1;
	[sflag:s0] =	ssyncset.done @!p0 $0x0  }
0x78: {  	[sflag:s0] =	ssyncadd.s32 @!p0 s1  }
0x79: {  	[bflag:$0x3] =	sbarrier.arrive $0xFFFF  }
0x7a: {  	_ =	shalt  }

</sc_bundles>
